<compile_context>
chip_gen: v7x
topology: tpu7x:2x2x1
jax: 0.10.2.dev20260603
libtpu: 0.0.44.dev20260713+nightly
codegen_flags: <defaults>
</compile_context>

<pallas_src>
import jax
import jax.numpy as jnp
from jax import lax
from jax.experimental import pallas as pl
from jax.experimental.pallas import tpu as pltpu
from jax.experimental.pallas import tpu_sc as plsc

B = 16384
D = 5
NSC = 16
COLS = B // NSC
LANES = 16
GROUPS = COLS // LANES


def _body(xt_hbm, tab_hbm, out_hbm, x_v, tab_v, out_v, sem):
    wid = lax.axis_index("s")
    c0 = pl.multiple_of(wid * COLS, 8)
    cp_x = pltpu.make_async_copy(xt_hbm.at[:, pl.ds(c0, COLS)], x_v, sem)
    cp_t = pltpu.make_async_copy(tab_hbm, tab_v, sem)
    cp_x.start()
    cp_t.start()
    cp_x.wait()
    cp_t.wait()

    @plsc.parallel_loop(0, GROUPS, unroll=2)
    def group(j):
        s = pl.ds(j * LANES, LANES)
        xs = [x_v[i, s] for i in range(D)]
        idx = xs[0] + 2 * xs[1] + 4 * xs[2] + 8 * xs[3] + 16 * xs[4]
        for i in range(D):
            ri = plsc.load_gather(tab_v, [jnp.full((LANES,), i, jnp.int32), idx])
            out_v[i, s] = ri

    pltpu.sync_copy(out_v, out_hbm.at[:, pl.ds(c0, COLS)])


def kernel(x, params):
    mesh = plsc.VectorSubcoreMesh(
        core_axis_name="c", subcore_axis_name="s", num_cores=1)
    f = pl.kernel(
        _body,
        mesh=mesh,
        compiler_params=pltpu.CompilerParams(needs_layout_passes=False),
        out_type=jax.ShapeDtypeStruct((D, B), jnp.float32),
        scratch_types=[
            pltpu.VMEM((D, COLS), jnp.int32),
            pltpu.VMEM((D, 32), jnp.float32),
            pltpu.VMEM((D, COLS), jnp.float32),
            pltpu.SemaphoreType.DMA,
        ],
    )
    return f(x.T, params.T).T

# --- scband reference (transcript-rebuilt; emitter-appended) ---
"""Pipeline reference for scband-dqn-12893491823292 (READ-ONLY COPY).

The authoritative reference and input builder live on the scoring server;
editing this copy changes nothing except your own understanding.
"""

import jax, jax.numpy as jnp
import numpy as np


def setup_inputs(seed: int = 0) -> dict:
    key = jax.random.key(seed)
    k1, k2 = jax.random.split(key)
    # x: binary vectors of length 5, so computed index idx = x . [1,2,4,8,16] is in [0, 32)
    x = jax.random.randint(k1, (16384, 5), 0, 2, dtype=jnp.int32)
    # learned parameter table, sized exactly as in the module: nn.Parameter(torch.empty(32, 5))
    params = jax.random.normal(k2, (32, 5), dtype=jnp.float32)
    return {"x": x, "params": params}


def reference(x, params):
    # weights = [2**0, 2**1, 2**2, 2**3, 2**4]
    weights = jnp.array([2 ** i for i in range(5)], dtype=x.dtype)
    # idx = np.dot(x, weights)
    idx = x @ weights  # int[B], values in [0, 32)
    # return self.params[idx]  -> gather rows of the table
    return jnp.take(params, idx, axis=0)

if __name__ == "__main__":
    import jax
    _d = setup_inputs()
    print(jax.jit(kernel)(*tuple(_d.values())))

</pallas_src>

<mosaic_0001>
#map = affine_map<(d0, d1) -> (0, 0)>
module attributes {stable_mosaic.version = 14 : i64} {
  func.func @_body(%arg0: i32, %arg1: i32, %arg2: memref<5x16384xi32, #tpu.memory_space<hbm>>, %arg3: memref<5x32xf32, #tpu.memory_space<hbm>>, %arg4: memref<5x16384xf32, #tpu.memory_space<hbm>>, %arg5: memref<5x1024xi32, #tpu.memory_space<vmem>>, %arg6: memref<5x32xf32, #tpu.memory_space<vmem>>, %arg7: memref<5x1024xf32, #tpu.memory_space<vmem>>, %arg8: memref<!tpu.dma_semaphore, #tpu.memory_space<semaphore_mem>>) attributes {dimension_semantics = [#tpu.dimension_semantics<core_parallel>, #tpu.dimension_semantics<subcore_parallel>], iteration_bounds = array<i64: 1, 16>, scalar_prefetch = 0 : i64, scratch_operands = 4 : i64, tpu.core_type = #tpu.core_type<sc_vector_subcore>, window_params = [{transform_indices = #map}, {transform_indices = #map}, {transform_indices = #map}]} {
    %mul3A = arith.constant 1024 : i32
    %mul3A_0 = arith.muli %arg1, %mul3A : i32
    %multiple_of3A = tpu.assume_multiple %mul3A_0, 8 : i32
    %dma_start3A = arith.constant 0 : i32
    %dma_start3A_1 = tpu.memref_slice %arg2[%dma_start3A, %multiple_of3A] : memref<5x16384xi32, #tpu.memory_space<hbm>> -> memref<5x1024xi32, #tpu.memory_space<hbm>>
    %dma_start3A_2 = arith.constant 0 : i32
    %dma_start3A_3 = tpu.memref_slice %arg2[%dma_start3A_2, %multiple_of3A] : memref<5x16384xi32, #tpu.memory_space<hbm>> -> memref<5x1024xi32, #tpu.memory_space<hbm>>
    tpu.enqueue_dma source(%dma_start3A_3 : memref<5x1024xi32, #tpu.memory_space<hbm>>) target(%arg5 : memref<5x1024xi32, #tpu.memory_space<vmem>>) target_semaphore(%arg8 : memref<!tpu.dma_semaphore, #tpu.memory_space<semaphore_mem>>)
    tpu.enqueue_dma source(%arg3 : memref<5x32xf32, #tpu.memory_space<hbm>>) target(%arg6 : memref<5x32xf32, #tpu.memory_space<vmem>>) target_semaphore(%arg8 : memref<!tpu.dma_semaphore, #tpu.memory_space<semaphore_mem>>)
    %dma_wait3A = arith.constant 0 : i32
    %dma_wait3A_4 = tpu.memref_slice %arg2[%dma_wait3A, %multiple_of3A] : memref<5x16384xi32, #tpu.memory_space<hbm>> -> memref<5x1024xi32, #tpu.memory_space<hbm>>
    %dma_wait3A_5 = arith.constant 0 : i32
    %dma_wait3A_6 = tpu.memref_slice %arg2[%dma_wait3A_5, %multiple_of3A] : memref<5x16384xi32, #tpu.memory_space<hbm>> -> memref<5x1024xi32, #tpu.memory_space<hbm>>
    tpu.wait_dma2 semaphore(%arg8 : memref<!tpu.dma_semaphore, #tpu.memory_space<semaphore_mem>>) src(%dma_wait3A_6 : memref<5x1024xi32, #tpu.memory_space<hbm>>) dst(%arg5 : memref<5x1024xi32, #tpu.memory_space<vmem>>)
    tpu.wait_dma2 semaphore(%arg8 : memref<!tpu.dma_semaphore, #tpu.memory_space<semaphore_mem>>) src(%arg3 : memref<5x32xf32, #tpu.memory_space<hbm>>) dst(%arg6 : memref<5x32xf32, #tpu.memory_space<vmem>>)
    %parallel_loop3A = arith.constant 0 : i32
    %parallel_loop3A_7 = arith.constant 64 : i32
    %parallel_loop3A_8 = arith.constant 1 : i32
    scf.for %parallel_loop3A_9 = %parallel_loop3A to %parallel_loop3A_7 step %parallel_loop3A_8  : i32 {
      %parallel_loop3A_10 = arith.constant 16 : i32
      %parallel_loop3A_11 = arith.muli %parallel_loop3A_9, %parallel_loop3A_10 : i32
      %parallel_loop3A_12 = arith.constant 0 : i32
      %parallel_loop3A_13 = arith.index_cast %parallel_loop3A_12 : i32 to index
      %parallel_loop3A_14 = arith.index_cast %parallel_loop3A_11 : i32 to index
      %parallel_loop3A_15 = tpu.vector_load %arg5[%parallel_loop3A_13, %parallel_loop3A_14] {strides = array<i32>} : memref<5x1024xi32, #tpu.memory_space<vmem>>, vector<16xi32>,
      %parallel_loop3A_16 = arith.constant 1 : i32
      %parallel_loop3A_17 = arith.index_cast %parallel_loop3A_16 : i32 to index
      %parallel_loop3A_18 = arith.index_cast %parallel_loop3A_11 : i32 to index
      %parallel_loop3A_19 = tpu.vector_load %arg5[%parallel_loop3A_17, %parallel_loop3A_18] {strides = array<i32>} : memref<5x1024xi32, #tpu.memory_space<vmem>>, vector<16xi32>,
      %parallel_loop3A_20 = arith.constant 2 : i32
      %parallel_loop3A_21 = arith.index_cast %parallel_loop3A_20 : i32 to index
      %parallel_loop3A_22 = arith.index_cast %parallel_loop3A_11 : i32 to index
      %parallel_loop3A_23 = tpu.vector_load %arg5[%parallel_loop3A_21, %parallel_loop3A_22] {strides = array<i32>} : memref<5x1024xi32, #tpu.memory_space<vmem>>, vector<16xi32>,
      %parallel_loop3A_24 = arith.constant 3 : i32
      %parallel_loop3A_25 = arith.index_cast %parallel_loop3A_24 : i32 to index
      %parallel_loop3A_26 = arith.index_cast %parallel_loop3A_11 : i32 to index
      %parallel_loop3A_27 = tpu.vector_load %arg5[%parallel_loop3A_25, %parallel_loop3A_26] {strides = array<i32>} : memref<5x1024xi32, #tpu.memory_space<vmem>>, vector<16xi32>,
      %parallel_loop3A_28 = arith.constant 4 : i32
      %parallel_loop3A_29 = arith.index_cast %parallel_loop3A_28 : i32 to index
      %parallel_loop3A_30 = arith.index_cast %parallel_loop3A_11 : i32 to index
      %parallel_loop3A_31 = tpu.vector_load %arg5[%parallel_loop3A_29, %parallel_loop3A_30] {strides = array<i32>} : memref<5x1024xi32, #tpu.memory_space<vmem>>, vector<16xi32>,
      %parallel_loop3A_32 = arith.constant 2 : i32
      %parallel_loop3A_33 = vector.broadcast %parallel_loop3A_32 : i32 to vector<16xi32>
      %parallel_loop3A_34 = arith.muli %parallel_loop3A_33, %parallel_loop3A_19 : vector<16xi32>
      %parallel_loop3A_35 = arith.addi %parallel_loop3A_15, %parallel_loop3A_34 : vector<16xi32>
      %parallel_loop3A_36 = arith.constant 4 : i32
      %parallel_loop3A_37 = vector.broadcast %parallel_loop3A_36 : i32 to vector<16xi32>
      %parallel_loop3A_38 = arith.muli %parallel_loop3A_37, %parallel_loop3A_23 : vector<16xi32>
      %parallel_loop3A_39 = arith.addi %parallel_loop3A_35, %parallel_loop3A_38 : vector<16xi32>
      %parallel_loop3A_40 = arith.constant 8 : i32
      %parallel_loop3A_41 = vector.broadcast %parallel_loop3A_40 : i32 to vector<16xi32>
      %parallel_loop3A_42 = arith.muli %parallel_loop3A_41, %parallel_loop3A_27 : vector<16xi32>
      %parallel_loop3A_43 = arith.addi %parallel_loop3A_39, %parallel_loop3A_42 : vector<16xi32>
      %parallel_loop3A_44 = arith.constant 16 : i32
      %parallel_loop3A_45 = vector.broadcast %parallel_loop3A_44 : i32 to vector<16xi32>
      %parallel_loop3A_46 = arith.muli %parallel_loop3A_45, %parallel_loop3A_31 : vector<16xi32>
      %parallel_loop3A_47 = arith.addi %parallel_loop3A_43, %parallel_loop3A_46 : vector<16xi32>
      %parallel_loop3A_48 = arith.constant 0 : i32
      %parallel_loop3A_49 = vector.broadcast %parallel_loop3A_48 : i32 to vector<16xi32>
      %parallel_loop3A_50 = tpu.vector_load_idx %arg6[%parallel_loop3A_49, %parallel_loop3A_47] : memref<5x32xf32, #tpu.memory_space<vmem>>[vector<16xi32>, vector<16xi32>], vector<16xf32>,
      %parallel_loop3A_51 = arith.constant 0 : i32
      %parallel_loop3A_52 = arith.index_cast %parallel_loop3A_51 : i32 to index
      %parallel_loop3A_53 = arith.index_cast %parallel_loop3A_11 : i32 to index
      %parallel_loop3A_54 = tpu.vector_load %arg7[%parallel_loop3A_52, %parallel_loop3A_53] {strides = array<i32>} : memref<5x1024xf32, #tpu.memory_space<vmem>>, vector<16xf32>,
      tpu.vector_store %arg7[%parallel_loop3A_52, %parallel_loop3A_53], %parallel_loop3A_50 {strides = array<i32>} : memref<5x1024xf32, #tpu.memory_space<vmem>>, vector<16xf32>,
      %parallel_loop3A_55 = arith.constant 1 : i32
      %parallel_loop3A_56 = vector.broadcast %parallel_loop3A_55 : i32 to vector<16xi32>
      %parallel_loop3A_57 = tpu.vector_load_idx %arg6[%parallel_loop3A_56, %parallel_loop3A_47] : memref<5x32xf32, #tpu.memory_space<vmem>>[vector<16xi32>, vector<16xi32>], vector<16xf32>,
      %parallel_loop3A_58 = arith.constant 1 : i32
      %parallel_loop3A_59 = arith.index_cast %parallel_loop3A_58 : i32 to index
      %parallel_loop3A_60 = arith.index_cast %parallel_loop3A_11 : i32 to index
      %parallel_loop3A_61 = tpu.vector_load %arg7[%parallel_loop3A_59, %parallel_loop3A_60] {strides = array<i32>} : memref<5x1024xf32, #tpu.memory_space<vmem>>, vector<16xf32>,
      tpu.vector_store %arg7[%parallel_loop3A_59, %parallel_loop3A_60], %parallel_loop3A_57 {strides = array<i32>} : memref<5x1024xf32, #tpu.memory_space<vmem>>, vector<16xf32>,
      %parallel_loop3A_62 = arith.constant 2 : i32
      %parallel_loop3A_63 = vector.broadcast %parallel_loop3A_62 : i32 to vector<16xi32>
      %parallel_loop3A_64 = tpu.vector_load_idx %arg6[%parallel_loop3A_63, %parallel_loop3A_47] : memref<5x32xf32, #tpu.memory_space<vmem>>[vector<16xi32>, vector<16xi32>], vector<16xf32>,
      %parallel_loop3A_65 = arith.constant 2 : i32
      %parallel_loop3A_66 = arith.index_cast %parallel_loop3A_65 : i32 to index
      %parallel_loop3A_67 = arith.index_cast %parallel_loop3A_11 : i32 to index
      %parallel_loop3A_68 = tpu.vector_load %arg7[%parallel_loop3A_66, %parallel_loop3A_67] {strides = array<i32>} : memref<5x1024xf32, #tpu.memory_space<vmem>>, vector<16xf32>,
      tpu.vector_store %arg7[%parallel_loop3A_66, %parallel_loop3A_67], %parallel_loop3A_64 {strides = array<i32>} : memref<5x1024xf32, #tpu.memory_space<vmem>>, vector<16xf32>,
      %parallel_loop3A_69 = arith.constant 3 : i32
      %parallel_loop3A_70 = vector.broadcast %parallel_loop3A_69 : i32 to vector<16xi32>
      %parallel_loop3A_71 = tpu.vector_load_idx %arg6[%parallel_loop3A_70, %parallel_loop3A_47] : memref<5x32xf32, #tpu.memory_space<vmem>>[vector<16xi32>, vector<16xi32>], vector<16xf32>,
      %parallel_loop3A_72 = arith.constant 3 : i32
      %parallel_loop3A_73 = arith.index_cast %parallel_loop3A_72 : i32 to index
      %parallel_loop3A_74 = arith.index_cast %parallel_loop3A_11 : i32 to index
      %parallel_loop3A_75 = tpu.vector_load %arg7[%parallel_loop3A_73, %parallel_loop3A_74] {strides = array<i32>} : memref<5x1024xf32, #tpu.memory_space<vmem>>, vector<16xf32>,
      tpu.vector_store %arg7[%parallel_loop3A_73, %parallel_loop3A_74], %parallel_loop3A_71 {strides = array<i32>} : memref<5x1024xf32, #tpu.memory_space<vmem>>, vector<16xf32>,
      %parallel_loop3A_76 = arith.constant 4 : i32
      %parallel_loop3A_77 = vector.broadcast %parallel_loop3A_76 : i32 to vector<16xi32>
      %parallel_loop3A_78 = tpu.vector_load_idx %arg6[%parallel_loop3A_77, %parallel_loop3A_47] : memref<5x32xf32, #tpu.memory_space<vmem>>[vector<16xi32>, vector<16xi32>], vector<16xf32>,
      %parallel_loop3A_79 = arith.constant 4 : i32
      %parallel_loop3A_80 = arith.index_cast %parallel_loop3A_79 : i32 to index
      %parallel_loop3A_81 = arith.index_cast %parallel_loop3A_11 : i32 to index
      %parallel_loop3A_82 = tpu.vector_load %arg7[%parallel_loop3A_80, %parallel_loop3A_81] {strides = array<i32>} : memref<5x1024xf32, #tpu.memory_space<vmem>>, vector<16xf32>,
      tpu.vector_store %arg7[%parallel_loop3A_80, %parallel_loop3A_81], %parallel_loop3A_78 {strides = array<i32>} : memref<5x1024xf32, #tpu.memory_space<vmem>>, vector<16xf32>,
    } {sc.loop_unroll_factor = 2 : i64, sc.parallel_access}
    "tpu.region"() ({
      %run_scoped3A = tpu.sem_alloc : memref<!tpu.dma_semaphore, #tpu.memory_space<semaphore_mem>>
      %dma_start3A_9 = arith.constant 0 : i32
      %dma_start3A_10 = tpu.memref_slice %arg4[%dma_start3A_9, %multiple_of3A] : memref<5x16384xf32, #tpu.memory_space<hbm>> -> memref<5x1024xf32, #tpu.memory_space<hbm>>
      %dma_start3A_11 = arith.constant 0 : i32
      %dma_start3A_12 = tpu.memref_slice %arg4[%dma_start3A_11, %multiple_of3A] : memref<5x16384xf32, #tpu.memory_space<hbm>> -> memref<5x1024xf32, #tpu.memory_space<hbm>>
      tpu.enqueue_dma source(%arg7 : memref<5x1024xf32, #tpu.memory_space<vmem>>) target(%dma_start3A_12 : memref<5x1024xf32, #tpu.memory_space<hbm>>) target_semaphore(%run_scoped3A : memref<!tpu.dma_semaphore, #tpu.memory_space<semaphore_mem>>)
      %dma_wait3A_13 = arith.constant 0 : i32
      %dma_wait3A_14 = tpu.memref_slice %arg4[%dma_wait3A_13, %multiple_of3A] : memref<5x16384xf32, #tpu.memory_space<hbm>> -> memref<5x1024xf32, #tpu.memory_space<hbm>>
      %dma_wait3A_15 = arith.constant 0 : i32
      %dma_wait3A_16 = tpu.memref_slice %arg4[%dma_wait3A_15, %multiple_of3A] : memref<5x16384xf32, #tpu.memory_space<hbm>> -> memref<5x1024xf32, #tpu.memory_space<hbm>>
      tpu.wait_dma2 semaphore(%run_scoped3A : memref<!tpu.dma_semaphore, #tpu.memory_space<semaphore_mem>>) src(%arg7 : memref<5x1024xf32, #tpu.memory_space<vmem>>) dst(%dma_wait3A_16 : memref<5x1024xf32, #tpu.memory_space<hbm>>)
      tpu.yield
    }) : () -> ()
    return
  }
}

</mosaic_0001>

<sc_bundles>
// kernel: kernel.3.cloned.1.call-start
scs
__scs_entry_jumppad:
0x0: {  	(pc) =	sbr.rel $0x88, $3  }
0x1: {  	(tag) =	ssettag $0x0;
	lr =	simm.s32 $0x1  }
0x2: {  	[smem:$0x3F9F] =	sst lr;
	_ =	strace $0xD0000000  }
0x3: {  	_ = 	snop  }
0x4: {  	_ = 	snop  }
0x5: {  	_ = 	snop  }
0x6: {  	_ = 	snop  }
0x7: {  	_ = 	snop  }
__scs_overlays_trampoline_lowered:
0x8: {  	[smem:$0x3FAE] =	sst s0  }
0x9: {  	[smem:$0x3FAF] =	sst s1  }
0xa: {  	[smem:$0x3FB0] =	sst s2  }
0xb: {  	[smem:$0x3FB1] =	sst s3  }
0xc: {  	[smem:$0x3FB2] =	sst s4  }
0xd: {  	[smem:$0x3FB3] =	sst s5  }
0xe: {  	[smem:$0x3FB4] =	sst s6  }
0xf: {  	[smem:$0x3FB5] =	sst s7  }
0x10: {  	[smem:$0x3FB6] =	sst s8  }
0x11: {  	[smem:$0x3FB7] =	sst s9;
	s0 =	simm.s32 @!p0 $0x0  }
0x12: {  	s1 =	sld [smem:$0x3F9D];
	s0 =	simm.s32 @p0 $0x1  }
0x13: {  	[smem:$0x3FB8] =	sst s0;
	s0 =	simm.s32 @!p1 $0x0  }
0x14: {  	s2 =	sld [smem:$0x3F9C];
	s0 =	simm.s32 @p1 $0x1  }
0x15: {  	[smem:$0x3FB9] =	sst s0;
	s0 =	simm.s32 @!p2 $0x0  }
0x16: {  	s3 =	sld [smem:$0x3FDB];
	s0 =	simm.s32 @p2 $0x1  }
0x17: {  	s4 =	simm.s32 $0x1BF5;
	[smem:$0x3FBB] =	sst s0  }
0x18: {  	s0 =	sld [smem:$0x3F9E];
	_ =	swait.ge [sflag:s4], $0x0  }
0x19: {  	s7 =	sld [smem:$0x3F9F]  }
0x1a: {  	s8 =	sadd.s32 $0xFFFFE003, lr  }
0x1b: {  	s9 =	sadd.s32 $0xFFFFFEF7, lr;
	s5 =	simm.s32 $0xFFFFFFFF;
	p2 =	slt.u32 s8, $0xFFFFF086  }
0x1c: {  	p1 =	slt.u32 s9, $0xF7A;
	s5 =	simm.s32 @!p2 $0x0  }
0x1d: {  	s5 =	simm.s32 @p1 $0x1;
	p0 =	seq.s32 s7, s2  }
0x1e: {  	s7 =	smul.u32 @!p0 $0xF7A, s2;
	p2 =	seq.s32 @!p0 s5, $0x0  }
0x1f: {  	s9 =	smul.u32 $0xF7A, s1;
	s8 =	simm.s32 @!p0 $0x1BF5;
	p2 =	por !p2, p0  }
0x20: {  	[sflag:s8] =	ssyncset.s32 @!p0 $0xFFFFF086;
	s6 =	sadd.s32 @!p0 s3, s7;
	s7 =	simm.s32 @!p0 $0x108  }
0x21: {  	s3 =	sadd.s32 s3, s9;
	s6 =	sadd.s32 @!p0 $0x88, s6;
	s7 =	simm.s32 @p2 $0x1082  }
0x22: {  	[simem:s7], [sflag:s8] =	dma.local @!p0 [hbm:s6], $0xF7A  }
0x23: {  	s9 =	sor.u32 $0xD0000000, s2;
	s6 =	simm.s32 $0x108;
	_ =	swait.ge @!p0 [sflag:s8], $0x0  }
0x24: {  	s3 =	sadd.s32 $0x88, s3;
	s6 =	simm.s32 @!p1 $0x1082;
	[sflag:s4] =	ssyncset.s32 $0xFFFFF086  }
0x25: {  	[simem:s6], [sflag:s4] =	dma.local [hbm:s3], $0xF7A  }
0x26: {  	[smem:$0x3F9F] =	sst s1;
	(tag) =	ssettag s2;
	_ =	strace s9  }
0x27: {  	s1 =	sld [smem:$0x3FAF]  }
0x28: {  	s2 =	sld [smem:$0x3FB0]  }
0x29: {  	s4 =	sld [smem:$0x3FB2]  }
0x2a: {  	p0 =	seq.s32 s5, $0x0;
	s5 =	sld [smem:$0x3FB3]  }
0x2b: {  	s6 =	sld [smem:$0x3FB4]  }
0x2c: {  	s7 =	sld [smem:$0x3FB5]  }
0x2d: {  	s3 =	simm.s32 $0x108;
	s8 =	sld [smem:$0x3FB6]  }
0x2e: {  	s3 =	simm.s32 @!p0 $0x1082;
	s9 =	sld [smem:$0x3FB7]  }
0x2f: {  	lr =	sadd.s32 s0, s3;
	s0 =	sld [smem:$0x3FAE]  }
0x30: {  	s3 =	sld [smem:$0x3FB1]  }
0x31: {  	[smem:$0x3FBA] =	sst s10  }
0x32: {  	s10 =	sld [smem:$0x3FB8];
	_ =	sdelay $0x3  }
0x33: {  	p0 =	seq.s32 s10, $0x1;
	s10 =	sld [smem:$0x3FBA];
	_ =	sdelay $0x3  }
0x34: {  	[smem:$0x3FBA] =	sst s10  }
0x35: {  	s10 =	sld [smem:$0x3FB9];
	_ =	sdelay $0x3  }
0x36: {  	p1 =	seq.s32 s10, $0x1;
	s10 =	sld [smem:$0x3FBA];
	_ =	sdelay $0x3  }
0x37: {  	[smem:$0x3FBA] =	sst s10  }
0x38: {  	s10 =	sld [smem:$0x3FBB]  }
0x39: {  	_ = 	snop;
	(pc) =	sbr.ind lr, $3  }
0x3a: {  	_ = 	snop  }
0x3b: {  	_ = 	snop  }
0x3c: {  	p2 =	seq.s32 s10, $0x1;
	s10 =	sld [smem:$0x3FBA]  }
0x3d: {  	_ =	shalt  }
0x3e: {  	_ =	shalt  }
0x3f: {  	_ =	shalt  }
0x40: {  	_ =	shalt  }
0x41: {  	_ =	shalt  }
0x42: {  	_ =	shalt  }
0x43: {  	_ =	shalt  }
0x44: {  	_ =	shalt  }
0x45: {  	_ =	shalt  }
0x46: {  	_ =	shalt  }
0x47: {  	_ =	shalt  }
0x48: {  	_ =	shalt  }
0x49: {  	_ =	shalt  }
0x4a: {  	_ =	shalt  }
0x4b: {  	_ =	shalt  }
0x4c: {  	_ =	shalt  }
0x4d: {  	_ =	shalt  }
0x4e: {  	_ =	shalt  }
0x4f: {  	_ =	shalt  }
0x50: {  	_ =	shalt  }
0x51: {  	_ =	shalt  }
0x52: {  	_ =	shalt  }
0x53: {  	_ =	shalt  }
0x54: {  	_ =	shalt  }
0x55: {  	_ =	shalt  }
0x56: {  	_ =	shalt  }
0x57: {  	_ =	shalt  }
0x58: {  	_ =	shalt  }
0x59: {  	_ =	shalt  }
0x5a: {  	_ =	shalt  }
0x5b: {  	_ =	shalt  }
0x5c: {  	_ =	shalt  }
0x5d: {  	_ =	shalt  }
0x5e: {  	_ =	shalt  }
0x5f: {  	_ =	shalt  }
0x60: {  	_ =	shalt  }
0x61: {  	_ =	shalt  }
0x62: {  	_ =	shalt  }
0x63: {  	_ =	shalt  }
0x64: {  	_ =	shalt  }
0x65: {  	_ =	shalt  }
0x66: {  	_ =	shalt  }
0x67: {  	_ =	shalt  }
0x68: {  	_ =	shalt  }
0x69: {  	_ =	shalt  }
0x6a: {  	_ =	shalt  }
0x6b: {  	_ =	shalt  }
0x6c: {  	_ =	shalt  }
0x6d: {  	_ =	shalt  }
0x6e: {  	_ =	shalt  }
0x6f: {  	_ =	shalt  }
0x70: {  	_ =	shalt  }
0x71: {  	_ =	shalt  }
0x72: {  	_ =	shalt  }
0x73: {  	_ =	shalt  }
0x74: {  	_ =	shalt  }
0x75: {  	_ =	shalt  }
0x76: {  	_ =	shalt  }
0x77: {  	_ =	shalt  }
0x78: {  	_ =	shalt  }
0x79: {  	_ =	shalt  }
0x7a: {  	_ =	shalt  }
0x7b: {  	_ =	shalt  }
0x7c: {  	_ =	shalt  }
0x7d: {  	_ =	shalt  }
0x7e: {  	_ =	shalt  }
0x7f: {  	_ =	shalt  }
0x80: {  	_ =	shalt  }
0x81: {  	_ =	shalt  }
0x82: {  	_ =	shalt  }
0x83: {  	_ =	shalt  }
0x84: {  	_ =	shalt  }
0x85: {  	_ =	shalt  }
0x86: {  	_ =	shalt  }
0x87: {  	_ =	shalt  }
.Lfunc_end0:
.L_simem_size_0:
called_computation_lowered:
.L_overlay_start_0:
0x88: {  	s0 =	sld [smem:$0x3FD9]  }
0x89: {  	s1 =	sld [smem:$0x3FFE];
	_ =	sdelay $0x3  }
0x8a: {  	s0 =	sadd.s32 s1, s0  }
0x8b: {  	[smem:$0x3FC6] =	sst s0  }
0x8c: {  	_ = 	snop  }
0x8d: {  	s0 =	sld [smem:$0x3FC9]  }
0x8e: {  	s17 =	sld [smem:$0x3FC8]  }
0x8f: {  	s2 =	sld [smem:$0x3FD0];
	(tm) =	ssettm $0x1  }
0x90: {  	s3 =	sld [smem:$0x3FFB];
	_ =	sdelay $0x3  }
0x91: {  	_ =	strace s3  }
0x92: {  	s3 =	sld [smem:$0x3FFC];
	_ =	sdelay $0x3  }
0x93: {  	_ =	strace s3  }
0x94: {  	s3 =	sld [smem:$0x3FFD];
	_ =	sdelay $0x3  }
0x95: {  	_ =	strace s3  }
0x96: {  	_ =	strace $0x8FFFFFFF  }
0x97: {  	s18 =	sld [smem:$0x3FDB];
	_ =	sdelay $0x1  }
0x98: {  	s4 =	simm.s32 $_scs_section_size  }
0x99: {  	s5 =	simm.s32 $_size__tile_overlayer_lowered;
	s6 =	simm.s32 $_tile_overlayer_lowered  }
0x9a: {  	s21 =	simm.s32 $0x1BFF;
	s20 =	sshll.u32 s6, $0x1;
	s3 =	sadd.s32 s4, s18  }
0x9b: {  	s7 =	simm.s32 $0x0;
	s19 =	sshll.u32 s5, $0x1;
	s5 =	sadd.s32 s20, s3  }
0x9c: {  	[timem:s7], [sflag:s21] =	dma.local [hbm:s5], s19  }
0x9d: {  	_ =	swait.ge [sflag:s21], s19  }
0x9e: {  	s4 =	ssub.s32 $0x0, s19;
	[sflag:s21] =	ssyncset.done $0x0  }
0x9f: {  	[sflag:s21] =	ssyncadd.s32 s4;
	_ =	sdelay $0x1  }
0xa0: {  	s22 =	simm.s32 $0x1B8B  }
0xa1: {  	_ =	swait.ge [sflag:s22], $0x1  }
0xa2: {  	[sflag:s22] =	ssyncset.done $0x0  }
0xa3: {  	s23 =	simm.s32 $0x1B8E;
	[sflag:s22] =	ssyncadd.s32 $0xFFFFFFFF  }
0xa4: {  	s24 =	simm.s32 $execute0_lowered;
	[smem:$0x3FD2] =	sst s23  }
0xa5: {  	s4 =	sshll.u32 s24, $0x1;
	_ =	strace $0x80000046;
	[dreg:$0x1] =	wrdreg $0xFFFFFFFF  }
0xa6: {  	s25 =	simm.s32 $_size_execute0_lowered;
	s3 =	sadd.s32 s3, s4;
	[dreg:$0x0] =	wrdreg $0x0  }
0xa7: {  	s4 =	sshll.u32 s25, $0x1;
	[dreg:$0x2] =	wrdreg s3  }
0xa8: {  	[dreg:$0x3] =	wrdreg s4  }
0xa9: {  	[dreg:$0x4] =	wrdreg $0xC0  }
0xaa: {  	_ =	task [dreg:s7], $0x5FFFF  }
0xab: {  	[dreg:$0x1] =	wrdreg $0xFFFFFFFF  }
0xac: {  	[dreg:$0x0] =	wrdreg $0x60  }
0xad: {  	[dreg:$0x2] =	wrdreg s0  }
0xae: {  	[dreg:$0x3] =	wrdreg s17  }
0xaf: {  	[dreg:$0x4] =	wrdreg s2  }
0xb0: {  	[dreg:$0x5] =	wrdreg $0x9  }
0xb1: {  	_ =	task.clear_ibuf [dreg:s7], $0x6FFFF;
	_ =	strace $0x90000046  }
0xb2: {  	s26 =	simm.s32 $0x9;
	_ =	strace $0x80000048  }
0xb3: {  	_ =	swait.ge [sflag:s26], $0x1  }
0xb4: {  	[sflag:s26] =	ssyncadd.s32 $0xFFFFFFFF  }
0xb5: {  	_ =	strace $0x90000048  }
0xb6: {  	_ =	sfence  }
0xb7: {  	s28 =	sld [smem:$0x0];
	_ =	sdelay $0x1  }
0xb8: {  	s29 =	srdreg.scid  }
0xb9: {  	s30 =	sshll.u32 s29, $0xD;
	s31 =	sshrl.u32 s29, $0x2  }
0xba: {  	s1 =	sand.u32 $0x1, s29;
	s2 =	sand.u32 $0x4000, s30;
	s0 =	sadd.s32 s31, s28  }
0xbb: {  	s1 =	sor.u32 s2, s1;
	s0 =	sshll.u32 s0, $0x11  }
0xbc: {  	s0 =	sor.u32 s0, s1  }
0xbd: {  	s0 =	sadd.s32 $0x8F2B, s0  }
0xbe: {  	[sflag:s0] =	ssyncadd.remote.s32 $0x1  }
0xbf: {  	_ =	sfence.sel $0xFFFF  }
0xc0: {  	[dreg:$0x0] =	wrdreg $0xFFFFFFFF;
	(pc) =	sbr.abs _section_cstart, $3  }
0xc1: {  	[dreg:$0x1] =	wrdreg $0xFFFFFFFF  }
0xc2: {  	_ =	task.clear_ibuf [dreg:s7], $0x2FFFF;
	_ =	strace $0x9FFFFFFF  }
0xc3: {  	(tm) =	ssettm $0x7FFFFFFF  }
tec
execute0_lowered:
.L_overlay_start_1:
0x0: {  	(tag) =	ssettag $0x1  }
0x1: {  	s4 =	rddreg [dreg:$0x0]  }
0x2: {  	s5 =	rddreg [dreg:$0x1]  }
0x3: {  	s2 =	rddreg [dreg:$0x2];
	s6 =	simm.s32 $0x0;
	s1 =	stileid.u32  }
0x4: {  	[smem:$0x7FF] =	sst s6;
	s3 =	sshll.u32 s1, $0xA  }
0x5: {  	s0 =	rddreg [dreg:$0x3];
	_ =	strace $0x80000047;
	s4 =	sadd.s32 s4, s3  }
0x6: {  	[tilespmem:s6], [sflag:$0x1] =	stream.linear.gather [hbm4b:s4+s6], $0x2000, $0x38;
	[tilespmem:$0x4400] =	vst v63  }
0x7: {  	s24 =	simm.s32 $0x1;
	s4 =	simm.s32 $0x2000  }
0x8: {  	[tilespmem:s4], [sflag:$0x1] =	stream.linear.gather [hbm4b:s5+s6], $0x280, $0x38;
	[tilespmem:$0x4400] =	vst v63  }
0x9: {  	_ =	swait.ge [sflag:s24], $0x2000  }
0xa: {  	[sflag:s24] =	ssyncset.done $0x0  }
0xb: {  	[sflag:s24] =	ssyncadd.s32 $0xFFFFE000  }
0xc: {  	_ =	swait.ge [sflag:s24], $0x280  }
0xd: {  	s7 =	sand.u32 $0x60, s6;
	s6 =	sand.u32 $0x1C00, s6;
	[sflag:s24] =	ssyncset.done $0x0  }
0xe: {  	s6 =	sor.u32 s7, s6;
	[sflag:s24] =	ssyncadd.s32 $0xFFFFFD80  }
0xf: {  	v0 =	vld [tilespmem:s6+$0x10]  }
0x10: {  	v1 =	vld [tilespmem:s6+$0x90]  }
0x11: {  	v2 =	vld [tilespmem:s6+$0x110]  }
0x12: {  	v3 =	vld [tilespmem:s6+$0x190]  }
0x13: {  	v4 =	vld [tilespmem:s6+$0x210];
	_ =	sdelay $0x1  }
0x14: {  	v1 =	vshll.u32 v1, $0x1  }
0x15: {  	v0 =	vadd.s32 v0, v1;
	v1 =	vshll.u32 v2, $0x2  }
0x16: {  	v0 =	vadd.s32 v1, v0;
	v1 =	vshll.u32 v3, $0x3  }
0x17: {  	v0 =	vadd.s32 v1, v0;
	v1 =	vshll.u32 v4, $0x4  }
0x18: {  	v0 =	vadd.s32 v1, v0;
	_ =	sdelay $0x2  }
0x19: {  	s25 =	simm.s32 $0x100;
	s26 =	simm.s32 $0x20  }
0x1a: {  	s5 =	sand.u32 $0x1C00, s25;
	s7 =	sand.u32 $0x60, s26  }
0x1b: {  	s5 =	sor.u32 s7, s5;
	v1 =	vld.idx.msk [tilespmem:v0+s4+$0x0], $0xffff  }
0x1c: {  	v5 =	vld [tilespmem:s5+$0x10];
	v3 =	vadd.s32 $0x80, v0  }
0x1d: {  	v6 =	vld [tilespmem:s5+$0x90]  }
0x1e: {  	v7 =	vld [tilespmem:s5+$0x110]  }
0x1f: {  	v8 =	vld [tilespmem:s6+$0x0]  }
0x20: {  	v4 =	vld [tilespmem:s5+$0x190];
	[tilespmem:s6+$0x2410] =	vst v1  }
0x21: {  	v1 =	vld.idx.msk [tilespmem:v3+s4+$0x0], $0xffff  }
0x22: {  	v3 =	vld [tilespmem:s5+$0x210]  }
0x23: {  	s28 =	simm.s32 $0x200;
	s8 =	simm.s32 $0x40;
	v10 =	vld [tilespmem:s6+$0x100]  }
0x24: {  	s8 =	sand.u32 $0x60, s8;
	s7 =	sand.u32 $0x1C00, s28;
	v11 =	vld [tilespmem:s6+$0x180];
	v6 =	vshll.u32 v6, $0x1;
	v9 =	vadd.s32 $0x100, v0  }
0x25: {  	s7 =	sor.u32 s8, s7;
	v12 =	vld [tilespmem:s5+$0x180];
	v5 =	vadd.s32 v5, v6;
	v6 =	vshll.u32 v7, $0x2  }
0x26: {  	v14 =	vld [tilespmem:s7+$0x90];
	v5 =	vadd.s32 v6, v5;
	v4 =	vshll.u32 v4, $0x3  }
0x27: {  	v2 =	vld [tilespmem:s6+$0x80];
	[tilespmem:s6+$0x2490] =	vst v1;
	v1 =	vadd.s32 v4, v5;
	v3 =	vshll.u32 v3, $0x4  }
0x28: {  	v7 =	vld [tilespmem:s6+$0x200];
	v5 =	vadd.s32 v3, v1  }
0x29: {  	v4 =	vld.idx.msk [tilespmem:v9+s4+$0x0], $0xffff  }
0x2a: {  	v6 =	vld [tilespmem:s5+$0x80];
	v1 =	vadd.s32 $0x180, v0  }
0x2b: {  	v3 =	vld [tilespmem:s5+$0x0]  }
0x2c: {  	v2 =	vshll.u32 v2, $0x1;
	v9 =	vld [tilespmem:s5+$0x100]  }
0x2d: {  	v2 =	vadd.s32 v8, v2;
	v8 =	vshll.u32 v10, $0x2;
	v10 =	vld.idx.msk [tilespmem:v5+s4+$0x0], $0xffff  }
0x2e: {  	v15 =	vld [tilespmem:s7+$0x110];
	[tilespmem:s6+$0x2510] =	vst v4;
	v4 =	vshll.u32 v11, $0x3;
	v11 =	vadd.s32 $0x80, v5  }
0x2f: {  	v2 =	vadd.s32 v8, v2;
	v8 =	vld.idx.msk [tilespmem:v1+s4+$0x0], $0xffff  }
0x30: {  	v0 =	vadd.s32 $0x200, v0;
	v1 =	vadd.s32 v4, v2;
	v2 =	vshll.u32 v7, $0x4;
	v7 =	vld [tilespmem:s7+$0x190]  }
0x31: {  	v4 =	vshll.u32 v6, $0x1;
	v1 =	vadd.s32 v2, v1;
	v2 =	vld [tilespmem:s7+$0x10]  }
0x32: {  	v3 =	vadd.s32 v3, v4;
	v4 =	vshll.u32 v9, $0x2;
	v9 =	vld [tilespmem:s7+$0x210];
	[tilespmem:s5+$0x2410] =	vst v10  }
0x33: {  	s29 =	simm.s32 $0x300;
	s9 =	simm.s32 $0x60;
	v6 =	vld.idx.msk [tilespmem:v11+s4+$0x0], $0xffff  }
0x34: {  	s9 =	sand.u32 $0x60, s9;
	s8 =	sand.u32 $0x1C00, s29;
	v13 =	vld [tilespmem:s5+$0x200];
	v3 =	vadd.s32 v4, v3;
	v4 =	vshll.u32 v12, $0x3;
	[tilespmem:s6+$0x2590] =	vst v8;
	v8 =	vadd.s32 $0x100, v5  }
0x35: {  	s8 =	sor.u32 s9, s8;
	v3 =	vadd.s32 v4, v3;
	v4 =	vld.idx.msk [tilespmem:v0+s4+$0x0], $0xffff;
	v0 =	vshll.u32 v14, $0x1  }
0x36: {  	v16 =	vld [tilespmem:s8+$0x10];
	v0 =	vadd.s32 v2, v0;
	v2 =	vshll.u32 v15, $0x2  }
0x37: {  	s30 =	simm.s32 $0x400;
	s10 =	simm.s32 $0x80;
	v17 =	vld [tilespmem:s8+$0x90];
	v0 =	vadd.s32 v2, v0;
	v2 =	vshll.u32 v7, $0x3  }
0x38: {  	s10 =	sand.u32 $0x60, s10;
	s9 =	sand.u32 $0x1C00, s30;
	v18 =	vld [tilespmem:s8+$0x110];
	v0 =	vadd.s32 v2, v0;
	v2 =	vshll.u32 v9, $0x4;
	[tilespmem:s5+$0x2490] =	vst v6  }
0x39: {  	s9 =	sor.u32 s10, s9;
	v0 =	vadd.s32 v2, v0;
	v6 =	vld.idx.msk [tilespmem:v8+s4+$0x0], $0xffff  }
0x3a: {  	v19 =	vld [tilespmem:s9+$0x10];
	v8 =	vadd.s32 $0x180, v5  }
0x3b: {  	v20 =	vld [tilespmem:s9+$0x110]  }
0x3c: {  	v12 =	vld [tilespmem:s7+$0x80]  }
0x3d: {  	v11 =	vshll.u32 v13, $0x4;
	v13 =	vld [tilespmem:s7+$0x100]  }
0x3e: {  	v14 =	vld.idx.msk [tilespmem:v0+s4+$0x0], $0xffff;
	[tilespmem:s5+$0x2510] =	vst v6  }
0x3f: {  	v6 =	vld.idx.msk [tilespmem:v8+s4+$0x0], $0xffff;
	v8 =	vadd.s32 $0x80, v0  }
0x40: {  	v3 =	vadd.s32 v11, v3;
	v11 =	vld [tilespmem:s7+$0x0]  }
0x41: {  	v21 =	vld [tilespmem:s9+$0x90]  }
0x42: {  	v10 =	vld.idx.msk [tilespmem:v1+s4+$0x0], $0xffff  }
0x43: {  	v15 =	vld [tilespmem:s8+$0x190];
	[tilespmem:s7+$0x2410] =	vst v14  }
0x44: {  	v12 =	vshll.u32 v12, $0x1;
	v7 =	vadd.s32 $0x80, v1;
	v8 =	vld.idx.msk [tilespmem:v8+s4+$0x0], $0xffff  }
0x45: {  	v11 =	vadd.s32 v11, v12;
	v12 =	vshll.u32 v13, $0x2;
	[tilespmem:s5+$0x2590] =	vst v6;
	v6 =	vld [tilespmem:s8+$0x210]  }
0x46: {  	v22 =	vld [tilespmem:s9+$0x180];
	v11 =	vadd.s32 v12, v11;
	v12 =	vadd.s32 $0x100, v0  }
0x47: {  	v2 =	vld [tilespmem:s7+$0x180];
	v13 =	vshll.u32 v17, $0x1  }
0x48: {  	v9 =	vld [tilespmem:s7+$0x200];
	[tilespmem:s6+$0x2400] =	vst v10;
	v13 =	vadd.s32 v16, v13;
	v14 =	vshll.u32 v18, $0x2  }
0x49: {  	v7 =	vld.idx.msk [tilespmem:v7+s4+$0x0], $0xffff;
	v13 =	vadd.s32 v14, v13;
	v14 =	vshll.u32 v15, $0x3  }
0x4a: {  	v10 =	vld.idx.msk [tilespmem:v3+s4+$0x0], $0xffff;
	v15 =	vadd.s32 $0x100, v1;
	[tilespmem:s7+$0x2490] =	vst v8;
	v8 =	vadd.s32 v14, v13;
	v6 =	vshll.u32 v6, $0x4  }
0x4b: {  	v12 =	vld.idx.msk [tilespmem:v12+s4+$0x0], $0xffff;
	v6 =	vadd.s32 v6, v8  }
0x4c: {  	v17 =	vld [tilespmem:s8+$0x100];
	v2 =	vshll.u32 v2, $0x3;
	v13 =	vadd.s32 $0x180, v0  }
0x4d: {  	v16 =	vadd.s32 $0x80, v3;
	v9 =	vshll.u32 v9, $0x4;
	v2 =	vadd.s32 v2, v11;
	v11 =	vld [tilespmem:s8+$0x80]  }
0x4e: {  	v9 =	vadd.s32 v9, v2;
	v2 =	vld [tilespmem:s8+$0x0];
	[tilespmem:s6+$0x2480] =	vst v7  }
0x4f: {  	v14 =	vld.idx.msk [tilespmem:v15+s4+$0x0], $0xffff  }
0x50: {  	v15 =	vld.idx.msk [tilespmem:v6+s4+$0x0], $0xffff;
	[tilespmem:s7+$0x2510] =	vst v12  }
0x51: {  	[tilespmem:s5+$0x2400] =	vst v10;
	v12 =	vld.idx.msk [tilespmem:v13+s4+$0x0], $0xffff;
	v13 =	vadd.s32 $0x80, v6  }
0x52: {  	v7 =	vld.idx.msk [tilespmem:v16+s4+$0x0], $0xffff;
	v0 =	vadd.s32 $0x200, v0  }
0x53: {  	v18 =	vld [tilespmem:s8+$0x180]  }
0x54: {  	v8 =	vld [tilespmem:s8+$0x200]  }
0x55: {  	v16 =	vld [tilespmem:s9+$0x190];
	[tilespmem:s8+$0x2410] =	vst v15  }
0x56: {  	s31 =	simm.s32 $0x500;
	s11 =	simm.s32 $0xA0;
	v11 =	vshll.u32 v11, $0x1;
	v13 =	vld.idx.msk [tilespmem:v13+s4+$0x0], $0xffff;
	[tilespmem:s7+$0x2590] =	vst v12  }
0x57: {  	s11 =	sand.u32 $0x60, s11;
	s10 =	sand.u32 $0x1C00, s31;
	v2 =	vadd.s32 v2, v11;
	v11 =	vshll.u32 v17, $0x2;
	v12 =	vld.idx.msk [tilespmem:v0+s4+$0x0], $0xffff  }
0x58: {  	s10 =	sor.u32 s11, s10;
	v0 =	vadd.s32 v11, v2;
	v2 =	vshll.u32 v18, $0x3;
	v11 =	vld [tilespmem:s9+$0x210]  }
0x59: {  	v23 =	vld [tilespmem:s10+$0x110];
	v15 =	vadd.s32 $0x100, v6;
	v0 =	vadd.s32 v2, v0;
	v2 =	vshll.u32 v8, $0x4  }
0x5a: {  	v24 =	vld [tilespmem:s10+$0x90];
	v5 =	vadd.s32 $0x200, v5;
	v17 =	vadd.s32 v2, v0;
	v0 =	vshll.u32 v21, $0x1  }
0x5b: {  	v26 =	vld [tilespmem:s10+$0x0];
	v0 =	vadd.s32 v19, v0;
	v19 =	vshll.u32 v20, $0x2  }
0x5c: {  	v27 =	vld [tilespmem:s10+$0x100];
	v16 =	vshll.u32 v16, $0x3;
	v0 =	vadd.s32 v19, v0  }
0x5d: {  	v10 =	vld.idx.msk [tilespmem:v9+s4+$0x0], $0xffff;
	[tilespmem:s8+$0x2490] =	vst v13;
	v0 =	vadd.s32 v16, v0;
	v11 =	vshll.u32 v11, $0x4  }
0x5e: {  	v15 =	vld.idx.msk [tilespmem:v15+s4+$0x0], $0xffff;
	v0 =	vadd.s32 v11, v0  }
0x5f: {  	v5 =	vld.idx.msk [tilespmem:v5+s4+$0x0], $0xffff;
	v11 =	vadd.s32 $0x180, v6  }
0x60: {  	v8 =	vld [tilespmem:s9+$0x80]  }
0x61: {  	v2 =	vld [tilespmem:s9+$0x0]  }
0x62: {  	[tilespmem:s5+$0x2480] =	vst v7;
	v21 =	vld [tilespmem:s9+$0x100];
	v20 =	vadd.s32 $0x100, v3  }
0x63: {  	[tilespmem:s8+$0x2510] =	vst v15;
	v7 =	vld.idx.msk [tilespmem:v0+s4+$0x0], $0xffff  }
0x64: {  	v11 =	vld.idx.msk [tilespmem:v11+s4+$0x0], $0xffff  }
0x65: {  	v19 =	vld [tilespmem:s10+$0x190];
	v6 =	vadd.s32 $0x200, v6  }
0x66: {  	v16 =	vld [tilespmem:s9+$0x200];
	v15 =	vadd.s32 $0x80, v0  }
0x67: {  	[tilespmem:s6+$0x2500] =	vst v14;
	v14 =	vld.idx.msk [tilespmem:v20+s4+$0x0], $0xffff  }
0x68: {  	v25 =	vadd.s32 $0x180, v3;
	v20 =	vld [tilespmem:s10+$0x10];
	[tilespmem:s9+$0x2410] =	vst v7;
	v7 =	vshll.u32 v8, $0x1  }
0x69: {  	v18 =	vadd.s32 $0x80, v9;
	[tilespmem:s8+$0x2590] =	vst v11;
	v11 =	vld [tilespmem:s10+$0x210];
	v2 =	vadd.s32 v2, v7;
	v7 =	vshll.u32 v21, $0x2  }
0x6a: {  	v13 =	vadd.s32 $0x180, v1;
	v21 =	vld.idx.msk [tilespmem:v6+s4+$0x0], $0xffff;
	v6 =	vadd.s32 v7, v2;
	v7 =	vshll.u32 v22, $0x3  }
0x6b: {  	v8 =	vld.idx.msk [tilespmem:v15+s4+$0x0], $0xffff;
	v2 =	vadd.s32 $0x200, v1;
	v1 =	vadd.s32 v7, v6;
	v6 =	vshll.u32 v16, $0x4  }
0x6c: {  	[tilespmem:s6+$0x2610] =	vst v4;
	v4 =	vshll.u32 v23, $0x2;
	v22 =	vld [tilespmem:s10+$0x80];
	v6 =	vadd.s32 v6, v1;
	v1 =	vshll.u32 v24, $0x1  }
0x6d: {  	[tilespmem:s7+$0x2400] =	vst v10;
	v63 =	vadd.s32 $0x80, v17;
	v10 =	vld.idx.msk [tilespmem:v17+s4+$0x0], $0xffff;
	v15 =	vadd.s32 $0x100, v0;
	v1 =	vadd.s32 v20, v1  }
0x6e: {  	[tilespmem:s5+$0x2610] =	vst v5;
	v18 =	vld.idx.msk [tilespmem:v18+s4+$0x0], $0xffff;
	v5 =	vshll.u32 v19, $0x3;
	v20 =	vadd.s32 $0x100, v9;
	v4 =	vadd.s32 v4, v1  }
0x6f: {  	v23 =	vld [tilespmem:s10+$0x180];
	[tilespmem:s7+$0x2610] =	vst v12;
	v7 =	vshll.u32 v11, $0x4;
	v1 =	vadd.s32 $0x200, v3;
	v3 =	vadd.s32 v5, v4  }
0x70: {  	v13 =	vld.idx.msk [tilespmem:v13+s4+$0x0], $0xffff;
	[tilespmem:s5+$0x2500] =	vst v14;
	v5 =	vadd.s32 $0x180, v9;
	v4 =	vadd.s32 $0x200, v9;
	v9 =	vadd.s32 $0x100, v17  }
0x71: {  	v29 =	vld [tilespmem:s10+$0x200];
	[tilespmem:s9+$0x2490] =	vst v8;
	v14 =	vshll.u32 v22, $0x1;
	v12 =	vadd.s32 v7, v3;
	v7 =	vadd.s32 $0x180, v17  }
0x72: {  	[tilespmem:s8+$0x2400] =	vst v10;
	v28 =	vld.idx.msk [tilespmem:v15+s4+$0x0], $0xffff;
	v3 =	vadd.s32 $0x200, v17;
	v14 =	vadd.s32 v26, v14;
	v17 =	vshll.u32 v27, $0x2  }
0x73: {  	[tilespmem:s7+$0x2480] =	vst v18;
	v15 =	vld.idx.msk [tilespmem:v63+s4+$0x0], $0xffff;
	v18 =	vadd.s32 v17, v14;
	v17 =	vadd.s32 $0x180, v0  }
0x74: {  	v16 =	vld.idx.msk [tilespmem:v6+s4+$0x0], $0xffff  }
0x75: {  	v19 =	vshll.u32 v23, $0x3;
	[tilespmem:s6+$0x2580] =	vst v13;
	v14 =	vld.idx.msk [tilespmem:v25+s4+$0x0], $0xffff  }
0x76: {  	v11 =	vadd.s32 $0x80, v6;
	v10 =	vadd.s32 $0x100, v6;
	v8 =	vadd.s32 $0x180, v6;
	[tilespmem:s8+$0x2610] =	vst v21;
	v13 =	vld.idx.msk [tilespmem:v20+s4+$0x0], $0xffff  }
0x77: {  	s12 =	simm.s32 $0x600;
	s13 =	simm.s32 $0xC0;
	s11 =	simm.s32 $0xA;
	v6 =	vadd.s32 $0x200, v6;
	v19 =	vadd.s32 v19, v18;
	v20 =	vshll.u32 v29, $0x4;
	[tilespmem:s9+$0x2510] =	vst v28;
	v18 =	vld.idx.msk [tilespmem:v12+s4+$0x0], $0xffff  }
.LBB2_1:
0x78: {  	s14 =	sand.u32 $0x60, s13;
	s15 =	sand.u32 $0x1C00, s12;
	v19 =	vadd.s32 v20, v19;
	v17 =	vld.idx.msk [tilespmem:v17+s4+$0x0], $0xffff  }
0x79: {  	v22 =	vadd.s32 $0x80, v12;
	s14 =	sor.u32 s14, s15;
	v20 =	vadd.s32 $0x80, v19;
	v21 =	vadd.s32 $0x100, v19;
	[tilespmem:s9+$0x2400] =	vst v16;
	v16 =	vld.idx.msk [tilespmem:v2+s4+$0x0], $0xffff;
	v2 =	vmovc v1;
	v1 =	vmovc v4  }
0x7a: {  	v25 =	vadd.s32 $0x200, v0;
	v24 =	vadd.s32 $0x180, v19;
	v4 =	vmovc v3;
	v3 =	vmovc v6;
	v6 =	vadd.s32 $0x200, v19;
	v23 =	vld [tilespmem:s14+$0x190];
	[tilespmem:s8+$0x2480] =	vst v15  }
0x7b: {  	s11 =	sadd.s32 $0x2, s11;
	v0 =	vmov v12;
	v15 =	vld [tilespmem:s14+$0x10];
	[tilespmem:s7+$0x2500] =	vst v13  }
0x7c: {  	p0 =	slt.u32 s11, $0x3E;
	v12 =	vld [tilespmem:s14+$0x110];
	[tilespmem:s5+$0x2580] =	vst v14  }
0x7d: {  	v13 =	vld [tilespmem:s14+$0x90];
	[tilespmem:s10+$0x2410] =	vst v18  }
0x7e: {  	v14 =	vld.idx.msk [tilespmem:v22+s4+$0x0], $0xffff;
	[tilespmem:s9+$0x2590] =	vst v17  }
0x7f: {  	v17 =	vld.idx.msk [tilespmem:v25+s4+$0x0], $0xffff;
	[tilespmem:s6+$0x2600] =	vst v16;
	s6 =	smov.u32 s5;
	s5 =	smov.u32 s7;
	s7 =	smov.u32 s8  }
0x80: {  	v18 =	vadd.s32 $0x100, v0;
	s8 =	smov.u32 s9;
	s9 =	smov.u32 s10;
	s10 =	smov.u32 s14;
	v16 =	vld [tilespmem:s14+$0x210]  }
0x81: {  	v22 =	vld [tilespmem:s10+$0x80]  }
0x82: {  	v25 =	vld [tilespmem:s10+$0x0];
	v13 =	vshll.u32 v13, $0x1  }
0x83: {  	v12 =	vshll.u32 v12, $0x2;
	v26 =	vld [tilespmem:s10+$0x100];
	v13 =	vadd.s32 v15, v13  }
0x84: {  	v27 =	vld [tilespmem:s10+$0x180];
	v12 =	vadd.s32 v12, v13;
	v13 =	vshll.u32 v23, $0x3;
	[tilespmem:s9+$0x2490] =	vst v14  }
0x85: {  	v12 =	vadd.s32 v13, v12;
	v13 =	vshll.u32 v16, $0x4;
	v23 =	vld.idx.msk [tilespmem:v18+s4+$0x0], $0xffff;
	[tilespmem:s8+$0x2610] =	vst v17  }
0x86: {  	v18 =	vld [tilespmem:s10+$0x200];
	v14 =	vshll.u32 v22, $0x1;
	v12 =	vadd.s32 v13, v12  }
.Ltmp0:
0x87: {  	v17 =	vadd.s32 $0x180, v0;
	v13 =	vadd.s32 v25, v14;
	v16 =	vld.idx.msk [tilespmem:v19+s4+$0x0], $0xffff;
	(pc) =	sbr.rel @p0 .LBB2_1-.Ltmp0, $4  }
0x88: {  	v14 =	vshll.u32 v26, $0x2;
	v15 =	vld.idx.msk [tilespmem:v11+s4+$0x0], $0xffff;
	v11 =	vmov v20  }
0x89: {  	v14 =	vadd.s32 v14, v13;
	v19 =	vshll.u32 v27, $0x3;
	v13 =	vld.idx.msk [tilespmem:v9+s4+$0x0], $0xffff;
	v9 =	vmovc v10;
	v10 =	vmov v21  }
0x8a: {  	v19 =	vadd.s32 v19, v14;
	v14 =	vld.idx.msk [tilespmem:v5+s4+$0x0], $0xffff;
	v5 =	vmovc v7;
	v7 =	vmov v8;
	v8 =	vmov v24  }
0x8b: {  	s12 =	sadd.s32 $0x100, s12;
	s13 =	sadd.s32 $0x20, s13;
	v20 =	vshll.u32 v18, $0x4;
	v18 =	vld.idx.msk [tilespmem:v12+s4+$0x0], $0xffff;
	[tilespmem:s9+$0x2510] =	vst v23  }
0x8c: {  	v19 =	vadd.s32 v20, v19;
	_ =	sdelay $0x4  }
0x8d: {  	v50 =	vadd.s32 $0x80, v12;
	v21 =	vld.idx.msk [tilespmem:v19+s4+$0x0], $0xffff  }
0x8e: {  	v22 =	vadd.s32 $0x80, v19;
	_ =	sdelay $0x1  }
0x8f: {  	[tilespmem:s9+$0x2400] =	vst v16  }
0x90: {  	v11 =	vld.idx.msk [tilespmem:v11+s4+$0x0], $0xffff;
	[tilespmem:s10+$0x2410] =	vst v18  }
0x91: {  	v18 =	vld.idx.msk [tilespmem:v50+s4+$0x0], $0xffff;
	[tilespmem:s10+$0x2400] =	vst v21  }
0x92: {  	v51 =	vadd.s32 $0x100, v12;
	[tilespmem:s8+$0x2480] =	vst v15;
	v52 =	vld.idx.msk [tilespmem:v22+s4+$0x0], $0xffff  }
0x93: {  	v53 =	vld.idx.msk [tilespmem:v17+s4+$0x0], $0xffff;
	v54 =	vadd.s32 $0x100, v19;
	[tilespmem:s7+$0x2500] =	vst v13  }
0x94: {  	v2 =	vld.idx.msk [tilespmem:v2+s4+$0x0], $0xffff;
	[tilespmem:s5+$0x2580] =	vst v14  }
0x95: {  	v9 =	vld.idx.msk [tilespmem:v9+s4+$0x0], $0xffff;
	[tilespmem:s9+$0x2480] =	vst v11  }
0x96: {  	v10 =	vld.idx.msk [tilespmem:v10+s4+$0x0], $0xffff;
	[tilespmem:s10+$0x2490] =	vst v18  }
0x97: {  	v55 =	vld.idx.msk [tilespmem:v51+s4+$0x0], $0xffff;
	[tilespmem:s10+$0x2480] =	vst v52  }
0x98: {  	v56 =	vadd.s32 $0x180, v12;
	[tilespmem:s9+$0x2590] =	vst v53;
	v57 =	vld.idx.msk [tilespmem:v54+s4+$0x0], $0xffff  }
0x99: {  	v58 =	vadd.s32 $0x180, v19;
	v5 =	vld.idx.msk [tilespmem:v5+s4+$0x0], $0xffff;
	[tilespmem:s6+$0x2600] =	vst v2  }
0x9a: {  	v0 =	vadd.s32 $0x200, v0;
	v1 =	vld.idx.msk [tilespmem:v1+s4+$0x0], $0xffff;
	[tilespmem:s8+$0x2500] =	vst v9  }
0x9b: {  	v7 =	vld.idx.msk [tilespmem:v7+s4+$0x0], $0xffff;
	[tilespmem:s9+$0x2500] =	vst v10  }
0x9c: {  	v8 =	vld.idx.msk [tilespmem:v8+s4+$0x0], $0xffff;
	[tilespmem:s10+$0x2510] =	vst v55  }
0x9d: {  	v59 =	vld.idx.msk [tilespmem:v56+s4+$0x0], $0xffff;
	[tilespmem:s10+$0x2500] =	vst v57  }
0x9e: {  	v60 =	vadd.s32 $0x200, v12;
	[tilespmem:s7+$0x2580] =	vst v5;
	v61 =	vld.idx.msk [tilespmem:v58+s4+$0x0], $0xffff  }
0x9f: {  	v62 =	vadd.s32 $0x200, v19;
	v0 =	vld.idx.msk [tilespmem:v0+s4+$0x0], $0xffff;
	[tilespmem:s5+$0x2600] =	vst v1  }
0xa0: {  	v4 =	vld.idx.msk [tilespmem:v4+s4+$0x0], $0xffff;
	[tilespmem:s8+$0x2580] =	vst v7  }
0xa1: {  	v3 =	vld.idx.msk [tilespmem:v3+s4+$0x0], $0xffff;
	[tilespmem:s9+$0x2580] =	vst v8  }
0xa2: {  	v63 =	vld.idx.msk [tilespmem:v6+s4+$0x0], $0xffff;
	[tilespmem:s10+$0x2590] =	vst v59  }
0xa3: {  	v2 =	vld.idx.msk [tilespmem:v60+s4+$0x0], $0xffff;
	[tilespmem:s10+$0x2580] =	vst v61  }
0xa4: {  	[tilespmem:s9+$0x2610] =	vst v0;
	v0 =	vld.idx.msk [tilespmem:v62+s4+$0x0], $0xffff  }
0xa5: {  	[tilespmem:s7+$0x2600] =	vst v4  }
0xa6: {  	[tilespmem:s8+$0x2600] =	vst v3  }
0xa7: {  	[tilespmem:s9+$0x2600] =	vst v63  }
0xa8: {  	s2 =	sadd.s32 s2, s3;
	[tilespmem:s10+$0x2610] =	vst v2  }
0xa9: {  	s29 =	simm.s32 $0x0;
	s30 =	simm.s32 $0x2400;
	s31 =	simm.s32 $0x2;
	[tilespmem:s10+$0x2600] =	vst v0  }
0xaa: {  	[hbm4b:s2+s29] =	stream.linear.scatter [tilespmem:s30], [sflag:$0x2], $0x2000, $0x38;
	[tilespmem:$0x4400] =	vst v63  }
0xab: {  	_ =	swait.ge [sflag:s31], $0x2000  }
0xac: {  	[sflag:s31] =	ssyncset.done $0x0  }
0xad: {  	[sflag:s31] =	ssyncadd.s32 $0xFFFFE000  }
0xae: {  	_ =	sfence.sel $0x180000  }
0xaf: {  	[bflag:$0x0] =	sbarrier.arrive $0xFFFF  }
0xb0: {  	p0 =	sne.s32 s1, $0x0;
	_ =	strace $0x90000047  }
0xb1: {  	s0 =	sadd.s32 @!p0 $0x100000, s0;
	[bflag:$0x2] =	sbarrier.arrive $0xFFFF  }
0xb2: {  	[sflag:s0] =	ssyncadd.tile.s32 @!p0 $0x1;
	_ =	shalt  }
.Lfunc_end2:
_tile_overlayer_lowered:
.L_overlay_start_2:
0xb3: {  	(tag) =	ssettag $0x2  }
0xb4: {  	s0 =	rddreg [dreg:$0x0];
	s2 =	stileid.u32  }
0xb5: {  	s1 =	rddreg [dreg:$0x1];
	p0 =	sne.s32 s2, $0x0  }
0xb6: {  	s3 =	rddreg [dreg:$0x2];
	[bflag:$0x3] =	sbarrier.arrive $0xFFFF;
	s2 =	simm.s32 @!p0 $0x1C02  }
0xb7: {  	[timem:s3], [sflag:s2] =	dma.local @!p0 [hbm:s0], s1  }
0xb8: {  	s0 =	simm.s32 @!p0 $0x2  }
0xb9: {  	_ =	swait.ge @!p0 [sflag:s0], s1  }
0xba: {  	s1 =	ssub.s32 @!p0 $0x0, s1;
	[sflag:s0] =	ssyncset.done @!p0 $0x0  }
0xbb: {  	[sflag:s0] =	ssyncadd.s32 @!p0 s1  }
0xbc: {  	[bflag:$0x3] =	sbarrier.arrive $0xFFFF  }
0xbd: {  	_ =	shalt  }

</sc_bundles>
